<compile_context>
chip_gen: v7x
topology: tpu7x:2x2x1
jax: 0.10.2.dev20260603
libtpu: 0.0.44.dev20260713+nightly
codegen_flags: <defaults>
</compile_context>

<pallas_src>
import functools

import jax
import jax.numpy as jnp
from jax import lax
from jax.experimental import pallas as pl
from jax.experimental.pallas import tpu as pltpu
from jax.experimental.pallas import tpu_sc as plsc

_NC, _NS, _L = 2, 16, 16
_NW = _NC * _NS


def _sc_positions(entity_list):
    B, T = entity_list.shape
    rows_w = B // _NW
    G = rows_w // _L
    n = rows_w * T
    mesh = plsc.VectorSubcoreMesh(core_axis_name="c", subcore_axis_name="s")

    @functools.partial(
        pl.kernel,
        out_type=jax.ShapeDtypeStruct((B * T,), jnp.int32),
        mesh=mesh,
        scratch_types=[pltpu.VMEM((n,), jnp.int32)],
        compiler_params=pltpu.CompilerParams(needs_layout_passes=False),
    )
    def pos_kernel(el_hbm, pos_hbm, buf):
        wid = lax.axis_index("s") * _NC + lax.axis_index("c")
        base = wid * n
        pltpu.sync_copy(el_hbm.at[pl.ds(base, n)], buf)
        lane = lax.iota(jnp.int32, 16)

        def group(g, _):
            row0 = (g * _L + lane) * T

            def step(t, carry):
                idx = row0 + t
                x = plsc.load_gather(buf, [idx])
                mi = (x != 0).astype(jnp.int32)
                carry = carry + mi
                plsc.store_scatter(buf, [idx], carry * mi)
                return carry

            lax.fori_loop(0, T, step, jnp.zeros((16,), jnp.int32))
            return 0

        lax.fori_loop(0, G, group, 0)
        pltpu.sync_copy(buf, pos_hbm.at[pl.ds(base, n)])

    return pos_kernel(entity_list.reshape(B * T)).reshape(B, T)


def _tc_body(pos_ref, emb_ref, w2_ref, out_ref):
    R, T = pos_ref.shape
    _, V, D2 = w2_ref.shape
    H = T // 2
    pos = pos_ref[...].astype(jnp.bfloat16)
    s_r = lax.broadcasted_iota(jnp.int32, (T, H), 0)
    s_c = lax.broadcasted_iota(jnp.int32, (T, H), 1)
    se = (s_r == 2 * s_c).astype(jnp.bfloat16)
    so = (s_r == 2 * s_c + 1).astype(jnp.bfloat16)
    pos_e = jnp.dot(pos, se, preferred_element_type=jnp.float32)
    pos_o = jnp.dot(pos, so, preferred_element_type=jnp.float32)
    vi = lax.broadcasted_iota(jnp.int32, (1, 1, V), 2).astype(jnp.float32)
    one = jnp.float32(1)
    zero = jnp.float32(0)
    oh_e = jnp.where(pos_e[:, :, None] == vi, one, zero).reshape(R * H, V).astype(jnp.bfloat16)
    oh_o = jnp.where(pos_o[:, :, None] == vi, one, zero).reshape(R * H, V).astype(jnp.bfloat16)
    pe = (jnp.dot(oh_e, w2_ref[0], preferred_element_type=jnp.float32)
          + jnp.dot(oh_o, w2_ref[1], preferred_element_type=jnp.float32))
    out_ref[...] = emb_ref[...] + pe.reshape(R, H, D2)


def kernel(entity_embeds, entity_list, W):
    B, T, D = entity_embeds.shape
    V = W.shape[0]
    H = T // 2
    R = min(128, B)
    pos = _sc_positions(entity_list)
    wb = W.astype(jnp.bfloat16)
    z = jnp.zeros_like(wb)
    w2 = jnp.stack([jnp.concatenate([wb, z], axis=1),
                    jnp.concatenate([z, wb], axis=1)])
    emb2 = entity_embeds.reshape(B, H, 2 * D)
    out = pl.pallas_call(
        _tc_body,
        grid=(B // R,),
        in_specs=[
            pl.BlockSpec((R, T), lambda i: (i, 0)),
            pl.BlockSpec((R, H, 2 * D), lambda i: (i, 0, 0)),
            pl.BlockSpec((2, V, 2 * D), lambda i: (0, 0, 0)),
        ],
        out_specs=pl.BlockSpec((R, H, 2 * D), lambda i: (i, 0, 0)),
        out_shape=jax.ShapeDtypeStruct((B, H, 2 * D), jnp.float32),
    )(pos, emb2, w2)
    return out.reshape(B, T, D)

# --- scband reference (transcript-rebuilt; emitter-appended) ---
"""Pipeline reference for scband-learned-positional-encoder-33217277067842 (READ-ONLY COPY).

The authoritative reference and input builder live on the scoring server;
editing this copy changes nothing except your own understanding.
"""

import jax, jax.numpy as jnp
import numpy as np


def setup_inputs(seed: int = 0) -> dict:
    key = jax.random.key(seed)
    k1, k2, k3 = jax.random.split(key, 3)
    entity_embeds = jax.random.normal(k1, (16384, 200, 64), dtype=jnp.float32)
    entity_list = jax.random.randint(k2, (16384, 200), 0, 1000)
    # xavier_uniform_ on pos_embedding.weight [max_len=256, dim=64]
    limit = float(np.sqrt(6.0 / (256 + 64)))
    W = jax.random.uniform(k3, (256, 64), minval=-limit, maxval=limit, dtype=jnp.float32)
    return {"entity_embeds": entity_embeds, "entity_list": entity_list, "W": W}


def reference(entity_embeds, entity_list, W):
    pad_idx = 0
    mask = (entity_list != pad_idx).astype(jnp.int32)
    positions = (jnp.cumsum(mask, axis=-1) * mask + pad_idx).astype(jnp.int32)
    pos_embed = jnp.take(W, positions, axis=0)
    return entity_embeds + pos_embed

if __name__ == "__main__":
    import jax
    _d = setup_inputs()
    print(jax.jit(kernel)(*tuple(_d.values())))

</pallas_src>

<mosaic_0001>
#map = affine_map<(d0, d1) -> (0)>
module attributes {stable_mosaic.version = 14 : i64} {
  func.func @pos_kernel(%arg0: i32, %arg1: i32, %arg2: memref<3276800xi32, #tpu.memory_space<hbm>>, %arg3: memref<3276800xi32, #tpu.memory_space<hbm>>, %arg4: memref<102400xi32, #tpu.memory_space<vmem>>) attributes {dimension_semantics = [#tpu.dimension_semantics<core_parallel>, #tpu.dimension_semantics<subcore_parallel>], iteration_bounds = array<i64: 2, 16>, scalar_prefetch = 0 : i64, scratch_operands = 1 : i64, tpu.core_type = #tpu.core_type<sc_vector_subcore>, window_params = [{transform_indices = #map}, {transform_indices = #map}]} {
    %mul3A = arith.constant 2 : i32
    %mul3A_0 = arith.muli %arg1, %mul3A : i32
    %add3A = arith.addi %mul3A_0, %arg0 : i32
    %mul3A_1 = arith.constant 102400 : i32
    %mul3A_2 = arith.muli %add3A, %mul3A_1 : i32
    "tpu.region"() ({
      %run_scoped3A = tpu.sem_alloc : memref<!tpu.dma_semaphore, #tpu.memory_space<semaphore_mem>>
      %dma_start3A = tpu.memref_slice %arg2[%mul3A_2] : memref<3276800xi32, #tpu.memory_space<hbm>> -> memref<102400xi32, #tpu.memory_space<hbm>>
      %dma_start3A_9 = tpu.memref_slice %arg2[%mul3A_2] : memref<3276800xi32, #tpu.memory_space<hbm>> -> memref<102400xi32, #tpu.memory_space<hbm>>
      tpu.enqueue_dma source(%dma_start3A_9 : memref<102400xi32, #tpu.memory_space<hbm>>) target(%arg4 : memref<102400xi32, #tpu.memory_space<vmem>>) target_semaphore(%run_scoped3A : memref<!tpu.dma_semaphore, #tpu.memory_space<semaphore_mem>>)
      %dma_wait3A = tpu.memref_slice %arg2[%mul3A_2] : memref<3276800xi32, #tpu.memory_space<hbm>> -> memref<102400xi32, #tpu.memory_space<hbm>>
      %dma_wait3A_10 = tpu.memref_slice %arg2[%mul3A_2] : memref<3276800xi32, #tpu.memory_space<hbm>> -> memref<102400xi32, #tpu.memory_space<hbm>>
      tpu.wait_dma2 semaphore(%run_scoped3A : memref<!tpu.dma_semaphore, #tpu.memory_space<semaphore_mem>>) src(%dma_wait3A_10 : memref<102400xi32, #tpu.memory_space<hbm>>) dst(%arg4 : memref<102400xi32, #tpu.memory_space<vmem>>)
      tpu.yield
    }) : () -> ()
    %iota3A = tpu.iota {dimensions = array<i32: 0>} : vector<16xi32>
    %scan3A = arith.constant 0 : i32
    %scan3A_3 = arith.constant 0 : i32
    %scan3A_4 = arith.constant 32 : i32
    %scan3A_5 = arith.addi %scan3A_3, %scan3A_4 : i32
    %scan3A_6 = arith.constant 1 : i32
    %scan3A_7 = scf.for %scan3A_9 = %scan3A_3 to %scan3A_5 step %scan3A_6 iter_args(%scan3A_10 = %scan3A) -> (i32)  : i32 {
      %mul3A_11 = arith.constant 16 : i32
      %mul3A_12 = arith.muli %scan3A_9, %mul3A_11 : i32
      %add3A_13 = vector.broadcast %mul3A_12 : i32 to vector<16xi32>
      %add3A_14 = arith.addi %add3A_13, %iota3A : vector<16xi32>
      %mul3A_15 = arith.constant 200 : i32
      %mul3A_16 = vector.broadcast %mul3A_15 : i32 to vector<16xi32>
      %mul3A_17 = arith.muli %add3A_14, %mul3A_16 : vector<16xi32>
      %broadcast_in_dim3A = arith.constant 0 : i32
      %broadcast_in_dim3A_18 = vector.broadcast %broadcast_in_dim3A : i32 to vector<16xi32>
      %scan3A_19 = arith.constant 0 : i32
      %scan3A_20 = arith.constant 200 : i32
      %scan3A_21 = arith.addi %scan3A_19, %scan3A_20 : i32
      %scan3A_22 = arith.constant 1 : i32
      %scan3A_23 = scf.for %scan3A_26 = %scan3A_19 to %scan3A_21 step %scan3A_22 iter_args(%scan3A_27 = %broadcast_in_dim3A_18) -> (vector<16xi32>)  : i32 {
        %add3A_28 = vector.broadcast %scan3A_26 : i32 to vector<16xi32>
        %add3A_29 = arith.addi %mul3A_17, %add3A_28 : vector<16xi32>
        %gather3A = tpu.vector_load_idx %arg4[%add3A_29] : memref<102400xi32, #tpu.memory_space<vmem>>[vector<16xi32>], vector<16xi32>,
        %ne3A = arith.constant 0 : i32
        %ne3A_30 = vector.broadcast %ne3A : i32 to vector<16xi32>
        %ne3A_31 = arith.cmpi ne, %gather3A, %ne3A_30 : vector<16xi32>
        %convert_element_type3A = arith.extui %ne3A_31 : vector<16xi1> to vector<16xi32>
        %add3A_32 = arith.addi %scan3A_27, %convert_element_type3A : vector<16xi32>
        %mul3A_33 = arith.muli %add3A_32, %convert_element_type3A : vector<16xi32>
        tpu.vector_store_idx %arg4[%add3A_29], %mul3A_33 : memref<102400xi32, #tpu.memory_space<vmem>>[vector<16xi32>], vector<16xi32>,
        scf.yield %add3A_32 : vector<16xi32>
      }
      %scan3A_24 = arith.constant 200 : i32
      %scan3A_25 = arith.constant 0 : i32
      scf.yield %scan3A_25 : i32
    }
    %scan3A_8 = arith.constant 32 : i32
    "tpu.region"() ({
      %run_scoped3A = tpu.sem_alloc : memref<!tpu.dma_semaphore, #tpu.memory_space<semaphore_mem>>
      %dma_start3A = tpu.memref_slice %arg3[%mul3A_2] : memref<3276800xi32, #tpu.memory_space<hbm>> -> memref<102400xi32, #tpu.memory_space<hbm>>
      %dma_start3A_9 = tpu.memref_slice %arg3[%mul3A_2] : memref<3276800xi32, #tpu.memory_space<hbm>> -> memref<102400xi32, #tpu.memory_space<hbm>>
      tpu.enqueue_dma source(%arg4 : memref<102400xi32, #tpu.memory_space<vmem>>) target(%dma_start3A_9 : memref<102400xi32, #tpu.memory_space<hbm>>) target_semaphore(%run_scoped3A : memref<!tpu.dma_semaphore, #tpu.memory_space<semaphore_mem>>)
      %dma_wait3A = tpu.memref_slice %arg3[%mul3A_2] : memref<3276800xi32, #tpu.memory_space<hbm>> -> memref<102400xi32, #tpu.memory_space<hbm>>
      %dma_wait3A_10 = tpu.memref_slice %arg3[%mul3A_2] : memref<3276800xi32, #tpu.memory_space<hbm>> -> memref<102400xi32, #tpu.memory_space<hbm>>
      tpu.wait_dma2 semaphore(%run_scoped3A : memref<!tpu.dma_semaphore, #tpu.memory_space<semaphore_mem>>) src(%arg4 : memref<102400xi32, #tpu.memory_space<vmem>>) dst(%dma_wait3A_10 : memref<102400xi32, #tpu.memory_space<hbm>>)
      tpu.yield
    }) : () -> ()
    return
  }
}

module attributes {stable_mosaic.version = 14 : i64} {
  func.func @_tc_body(%arg0: i32, %arg1: memref<128x200xi32, #tpu.memory_space<vmem>>, %arg2: memref<128x100x128xf32, #tpu.memory_space<vmem>>, %arg3: memref<2x256x128xbf16, #tpu.memory_space<vmem>>, %arg4: memref<128x100x128xf32, #tpu.memory_space<vmem>>) attributes {dimension_semantics = [#tpu.dimension_semantics<arbitrary>], iteration_bounds = array<i64: 128>, scalar_prefetch = 0 : i64, scratch_operands = 0 : i64, tpu.core_type = #tpu.core_type<tc>, window_params = [{transform_indices = @transform_0, window_bounds = array<i64: 128, 200>}, {transform_indices = @transform_1, window_bounds = array<i64: 128, 100, 128>}, {pipeline_mode = #tpu.pipeline_mode<synchronous>, transform_indices = @transform_2, window_bounds = array<i64: 2, 256, 128>}, {transform_indices = @transform_3, window_bounds = array<i64: 128, 100, 128>}]} {
    %get3A = arith.constant 0 : index
    %get3A_0 = arith.constant 0 : index
    %get3A_1 = vector.load %arg1[%get3A, %get3A_0] : memref<128x200xi32, #tpu.memory_space<vmem>>, vector<128x200xi32>
    %convert_element_type3A = arith.sitofp %get3A_1 : vector<128x200xi32> to vector<128x200xbf16>
    %iota3A = tpu.iota {dimensions = array<i32: 0>} : vector<200x100xi32>
    %iota3A_2 = tpu.iota {dimensions = array<i32: 1>} : vector<200x100xi32>
    %mul3A = arith.constant 2 : i32
    %mul3A_3 = vector.broadcast %mul3A : i32 to vector<200x100xi32>
    %mul3A_4 = arith.muli %mul3A_3, %iota3A_2 : vector<200x100xi32>
    %eq3A = arith.cmpi eq, %iota3A, %mul3A_4 : vector<200x100xi32>
    %convert_element_type3A_5 = arith.extui %eq3A : vector<200x100xi1> to vector<200x100xi32>
    %convert_element_type3A_6 = arith.sitofp %convert_element_type3A_5 : vector<200x100xi32> to vector<200x100xf32>
    %convert_element_type3A_7 = arith.truncf %convert_element_type3A_6 : vector<200x100xf32> to vector<200x100xbf16>
    %mul3A_8 = arith.constant 2 : i32
    %mul3A_9 = vector.broadcast %mul3A_8 : i32 to vector<200x100xi32>
    %mul3A_10 = arith.muli %mul3A_9, %iota3A_2 : vector<200x100xi32>
    %add3A = arith.constant 1 : i32
    %add3A_11 = vector.broadcast %add3A : i32 to vector<200x100xi32>
    %add3A_12 = arith.addi %mul3A_10, %add3A_11 : vector<200x100xi32>
    %eq3A_13 = arith.cmpi eq, %iota3A, %add3A_12 : vector<200x100xi32>
    %convert_element_type3A_14 = arith.extui %eq3A_13 : vector<200x100xi1> to vector<200x100xi32>
    %convert_element_type3A_15 = arith.sitofp %convert_element_type3A_14 : vector<200x100xi32> to vector<200x100xf32>
    %convert_element_type3A_16 = arith.truncf %convert_element_type3A_15 : vector<200x100xf32> to vector<200x100xbf16>
    %dot_general3A = arith.constant dense<0.000000e+00> : vector<128x100xf32>
    %dot_general3A_17 = tpu.matmul %convert_element_type3A, %convert_element_type3A_7, %dot_general3A {dimension_numbers = #tpu.dot_dimension_numbers<[1], [0], [0], [1], [0, 0, 1, 1], [], []>, transpose_lhs_hint = false} : vector<128x200xbf16>, vector<200x100xbf16>, vector<128x100xf32> -> vector<128x100xf32>
    %dot_general3A_18 = arith.constant dense<0.000000e+00> : vector<128x100xf32>
    %dot_general3A_19 = tpu.matmul %convert_element_type3A, %convert_element_type3A_16, %dot_general3A_18 {dimension_numbers = #tpu.dot_dimension_numbers<[1], [0], [0], [1], [0, 0, 1, 1], [], []>, transpose_lhs_hint = false} : vector<128x200xbf16>, vector<200x100xbf16>, vector<128x100xf32> -> vector<128x100xf32>
    %iota3A_20 = tpu.iota {dimensions = array<i32: 2>} : vector<1x1x256xi32>
    %convert_element_type3A_21 = arith.sitofp %iota3A_20 : vector<1x1x256xi32> to vector<1x1x256xf32>
    %broadcast_in_dim3A = vector.shape_cast %dot_general3A_17 : vector<128x100xf32> to vector<128x100x1xf32>
    %eq3A_22 = vector.broadcast %broadcast_in_dim3A : vector<128x100x1xf32> to vector<128x100x256xf32>
    %eq3A_23 = vector.broadcast %convert_element_type3A_21 : vector<1x1x256xf32> to vector<128x100x256xf32>
    %eq3A_24 = arith.cmpf oeq, %eq3A_22, %eq3A_23 : vector<128x100x256xf32>
    %jit3A = arith.constant 1.000000e+00 : f32
    %jit3A_25 = arith.constant 0.000000e+00 : f32
    %broadcast_in_dim3A_26 = vector.broadcast %jit3A : f32 to vector<128x100x256xf32>
    %broadcast_in_dim3A_27 = vector.broadcast %jit3A_25 : f32 to vector<128x100x256xf32>
    %select_n3A = arith.select %eq3A_24, %broadcast_in_dim3A_26, %broadcast_in_dim3A_27 : vector<128x100x256xi1>, vector<128x100x256xf32>
    %reshape3A = vector.shape_cast %select_n3A : vector<128x100x256xf32> to vector<12800x256xf32>
    %convert_element_type3A_28 = arith.truncf %reshape3A : vector<12800x256xf32> to vector<12800x256xbf16>
    %broadcast_in_dim3A_29 = vector.shape_cast %dot_general3A_19 : vector<128x100xf32> to vector<128x100x1xf32>
    %eq3A_30 = vector.broadcast %broadcast_in_dim3A_29 : vector<128x100x1xf32> to vector<128x100x256xf32>
    %eq3A_31 = vector.broadcast %convert_element_type3A_21 : vector<1x1x256xf32> to vector<128x100x256xf32>
    %eq3A_32 = arith.cmpf oeq, %eq3A_30, %eq3A_31 : vector<128x100x256xf32>
    %jit3A_33 = arith.constant 1.000000e+00 : f32
    %jit3A_34 = arith.constant 0.000000e+00 : f32
    %broadcast_in_dim3A_35 = vector.broadcast %jit3A_33 : f32 to vector<128x100x256xf32>
    %broadcast_in_dim3A_36 = vector.broadcast %jit3A_34 : f32 to vector<128x100x256xf32>
    %select_n3A_37 = arith.select %eq3A_32, %broadcast_in_dim3A_35, %broadcast_in_dim3A_36 : vector<128x100x256xi1>, vector<128x100x256xf32>
    %reshape3A_38 = vector.shape_cast %select_n3A_37 : vector<128x100x256xf32> to vector<12800x256xf32>
    %convert_element_type3A_39 = arith.truncf %reshape3A_38 : vector<12800x256xf32> to vector<12800x256xbf16>
    %get3A_40 = arith.constant 0 : index
    %get3A_41 = arith.constant 0 : index
    %get3A_42 = arith.constant 0 : index
    %get3A_43 = vector.load %arg3[%get3A_40, %get3A_41, %get3A_42] : memref<2x256x128xbf16, #tpu.memory_space<vmem>>, vector<1x256x128xbf16>
    %get3A_44 = vector.shape_cast %get3A_43 : vector<1x256x128xbf16> to vector<256x128xbf16>
    %dot_general3A_45 = arith.constant dense<0.000000e+00> : vector<12800x128xf32>
    %dot_general3A_46 = tpu.matmul %convert_element_type3A_28, %get3A_44, %dot_general3A_45 {dimension_numbers = #tpu.dot_dimension_numbers<[1], [0], [0], [1], [0, 0, 1, 1], [], []>, transpose_lhs_hint = false} : vector<12800x256xbf16>, vector<256x128xbf16>, vector<12800x128xf32> -> vector<12800x128xf32>
    %get3A_47 = arith.constant 1 : index
    %get3A_48 = arith.constant 0 : index
    %get3A_49 = arith.constant 0 : index
    %get3A_50 = vector.load %arg3[%get3A_47, %get3A_48, %get3A_49] : memref<2x256x128xbf16, #tpu.memory_space<vmem>>, vector<1x256x128xbf16>
    %get3A_51 = vector.shape_cast %get3A_50 : vector<1x256x128xbf16> to vector<256x128xbf16>
    %dot_general3A_52 = arith.constant dense<0.000000e+00> : vector<12800x128xf32>
    %dot_general3A_53 = tpu.matmul %convert_element_type3A_39, %get3A_51, %dot_general3A_52 {dimension_numbers = #tpu.dot_dimension_numbers<[1], [0], [0], [1], [0, 0, 1, 1], [], []>, transpose_lhs_hint = false} : vector<12800x256xbf16>, vector<256x128xbf16>, vector<12800x128xf32> -> vector<12800x128xf32>
    %add3A_54 = arith.addf %dot_general3A_46, %dot_general3A_53 : vector<12800x128xf32>
    %get3A_55 = arith.constant 0 : index
    %get3A_56 = arith.constant 0 : index
    %get3A_57 = arith.constant 0 : index
    %get3A_58 = vector.load %arg2[%get3A_55, %get3A_56, %get3A_57] : memref<128x100x128xf32, #tpu.memory_space<vmem>>, vector<128x100x128xf32>
    %reshape3A_59 = vector.shape_cast %add3A_54 : vector<12800x128xf32> to vector<128x100x128xf32>
    %add3A_60 = arith.addf %get3A_58, %reshape3A_59 : vector<128x100x128xf32>
    %swap3A = arith.constant 0 : index
    %swap3A_61 = arith.constant 0 : index
    %swap3A_62 = arith.constant 0 : index
    %swap3A_63 = vector.load %arg4[%swap3A, %swap3A_61, %swap3A_62] : memref<128x100x128xf32, #tpu.memory_space<vmem>>, vector<128x100x128xf32>
    tpu.vector_store %arg4[%swap3A, %swap3A_61, %swap3A_62], %add3A_60 {strides = array<i32>} : memref<128x100x128xf32, #tpu.memory_space<vmem>>, vector<128x100x128xf32>,
    return
  }
  func.func @transform_0(%arg0: i32) -> (i32, i32) {
    %c0_i32 = arith.constant 0 : i32
    %c0_i32_0 = arith.constant 0 : i32
    return %arg0, %c0_i32 : i32, i32
  }
  func.func @transform_1(%arg0: i32) -> (i32, i32, i32) {
    %c0_i32 = arith.constant 0 : i32
    %c0_i32_0 = arith.constant 0 : i32
    %c0_i32_1 = arith.constant 0 : i32
    return %arg0, %c0_i32, %c0_i32_0 : i32, i32, i32
  }
  func.func @transform_2(%arg0: i32) -> (i32, i32, i32) {
    %c0_i32 = arith.constant 0 : i32
    %c0_i32_0 = arith.constant 0 : i32
    %c0_i32_1 = arith.constant 0 : i32
    %c0_i32_2 = arith.constant 0 : i32
    return %c0_i32, %c0_i32_0, %c0_i32_1 : i32, i32, i32
  }
  func.func @transform_3(%arg0: i32) -> (i32, i32, i32) {
    %c0_i32 = arith.constant 0 : i32
    %c0_i32_0 = arith.constant 0 : i32
    %c0_i32_1 = arith.constant 0 : i32
    return %arg0, %c0_i32, %c0_i32_0 : i32, i32, i32
  }
}

</mosaic_0001>

<sc_bundles>
// kernel: kernel.4.cloned.1.call-start
scs
__scs_entry_jumppad:
0x0: {  	(pc) =	sbr.rel $0x88, $3  }
0x1: {  	(tag) =	ssettag $0x0;
	lr =	simm.s32 $0x1  }
0x2: {  	[smem:$0x3F9E] =	sst lr;
	_ =	strace $0xD0000000  }
0x3: {  	_ = 	snop  }
0x4: {  	_ = 	snop  }
0x5: {  	_ = 	snop  }
0x6: {  	_ = 	snop  }
0x7: {  	_ = 	snop  }
__scs_overlays_trampoline_lowered:
0x8: {  	[smem:$0x3FAD] =	sst s0  }
0x9: {  	[smem:$0x3FAE] =	sst s1  }
0xa: {  	[smem:$0x3FAF] =	sst s2  }
0xb: {  	[smem:$0x3FB0] =	sst s3  }
0xc: {  	[smem:$0x3FB1] =	sst s4  }
0xd: {  	[smem:$0x3FB2] =	sst s5  }
0xe: {  	[smem:$0x3FB3] =	sst s6  }
0xf: {  	[smem:$0x3FB4] =	sst s7  }
0x10: {  	[smem:$0x3FB5] =	sst s8  }
0x11: {  	[smem:$0x3FB6] =	sst s9;
	s0 =	simm.s32 @!p0 $0x0  }
0x12: {  	s1 =	sld [smem:$0x3F9C];
	s0 =	simm.s32 @p0 $0x1  }
0x13: {  	[smem:$0x3FB7] =	sst s0;
	s0 =	simm.s32 @!p1 $0x0  }
0x14: {  	s2 =	sld [smem:$0x3F9B];
	s0 =	simm.s32 @p1 $0x1  }
0x15: {  	[smem:$0x3FB8] =	sst s0;
	s0 =	simm.s32 @!p2 $0x0  }
0x16: {  	s3 =	sld [smem:$0x3FDB];
	s0 =	simm.s32 @p2 $0x1  }
0x17: {  	s4 =	simm.s32 $0x1BF5;
	[smem:$0x3FBA] =	sst s0  }
0x18: {  	s0 =	sld [smem:$0x3F9D];
	_ =	swait.ge [sflag:s4], $0x0  }
0x19: {  	s7 =	sld [smem:$0x3F9E]  }
0x1a: {  	s8 =	sadd.s32 $0xFFFFE003, lr  }
0x1b: {  	s9 =	sadd.s32 $0xFFFFFEF7, lr;
	s5 =	simm.s32 $0xFFFFFFFF;
	p2 =	slt.u32 s8, $0xFFFFF086  }
0x1c: {  	p1 =	slt.u32 s9, $0xF7A;
	s5 =	simm.s32 @!p2 $0x0  }
0x1d: {  	s5 =	simm.s32 @p1 $0x1;
	p0 =	seq.s32 s7, s2  }
0x1e: {  	s7 =	smul.u32 @!p0 $0xF7A, s2;
	p2 =	seq.s32 @!p0 s5, $0x0  }
0x1f: {  	s9 =	smul.u32 $0xF7A, s1;
	s8 =	simm.s32 @!p0 $0x1BF5;
	p2 =	por !p2, p0  }
0x20: {  	[sflag:s8] =	ssyncset.s32 @!p0 $0xFFFFF086;
	s6 =	sadd.s32 @!p0 s3, s7;
	s7 =	simm.s32 @!p0 $0x108  }
0x21: {  	s3 =	sadd.s32 s3, s9;
	s6 =	sadd.s32 @!p0 $0x88, s6;
	s7 =	simm.s32 @p2 $0x1082  }
0x22: {  	[simem:s7], [sflag:s8] =	dma.local @!p0 [hbm:s6], $0xF7A  }
0x23: {  	s9 =	sor.u32 $0xD0000000, s2;
	s6 =	simm.s32 $0x108;
	_ =	swait.ge @!p0 [sflag:s8], $0x0  }
0x24: {  	s3 =	sadd.s32 $0x88, s3;
	s6 =	simm.s32 @!p1 $0x1082;
	[sflag:s4] =	ssyncset.s32 $0xFFFFF086  }
0x25: {  	[simem:s6], [sflag:s4] =	dma.local [hbm:s3], $0xF7A  }
0x26: {  	[smem:$0x3F9E] =	sst s1;
	(tag) =	ssettag s2;
	_ =	strace s9  }
0x27: {  	s1 =	sld [smem:$0x3FAE]  }
0x28: {  	s2 =	sld [smem:$0x3FAF]  }
0x29: {  	s4 =	sld [smem:$0x3FB1]  }
0x2a: {  	p0 =	seq.s32 s5, $0x0;
	s5 =	sld [smem:$0x3FB2]  }
0x2b: {  	s6 =	sld [smem:$0x3FB3]  }
0x2c: {  	s7 =	sld [smem:$0x3FB4]  }
0x2d: {  	s3 =	simm.s32 $0x108;
	s8 =	sld [smem:$0x3FB5]  }
0x2e: {  	s3 =	simm.s32 @!p0 $0x1082;
	s9 =	sld [smem:$0x3FB6]  }
0x2f: {  	lr =	sadd.s32 s0, s3;
	s0 =	sld [smem:$0x3FAD]  }
0x30: {  	s3 =	sld [smem:$0x3FB0]  }
0x31: {  	[smem:$0x3FB9] =	sst s10  }
0x32: {  	s10 =	sld [smem:$0x3FB7];
	_ =	sdelay $0x3  }
0x33: {  	p0 =	seq.s32 s10, $0x1;
	s10 =	sld [smem:$0x3FB9];
	_ =	sdelay $0x3  }
0x34: {  	[smem:$0x3FB9] =	sst s10  }
0x35: {  	s10 =	sld [smem:$0x3FB8];
	_ =	sdelay $0x3  }
0x36: {  	p1 =	seq.s32 s10, $0x1;
	s10 =	sld [smem:$0x3FB9];
	_ =	sdelay $0x3  }
0x37: {  	[smem:$0x3FB9] =	sst s10  }
0x38: {  	s10 =	sld [smem:$0x3FBA]  }
0x39: {  	_ = 	snop;
	(pc) =	sbr.ind lr, $3  }
0x3a: {  	_ = 	snop  }
0x3b: {  	_ = 	snop  }
0x3c: {  	p2 =	seq.s32 s10, $0x1;
	s10 =	sld [smem:$0x3FB9]  }
0x3d: {  	_ =	shalt  }
0x3e: {  	_ =	shalt  }
0x3f: {  	_ =	shalt  }
0x40: {  	_ =	shalt  }
0x41: {  	_ =	shalt  }
0x42: {  	_ =	shalt  }
0x43: {  	_ =	shalt  }
0x44: {  	_ =	shalt  }
0x45: {  	_ =	shalt  }
0x46: {  	_ =	shalt  }
0x47: {  	_ =	shalt  }
0x48: {  	_ =	shalt  }
0x49: {  	_ =	shalt  }
0x4a: {  	_ =	shalt  }
0x4b: {  	_ =	shalt  }
0x4c: {  	_ =	shalt  }
0x4d: {  	_ =	shalt  }
0x4e: {  	_ =	shalt  }
0x4f: {  	_ =	shalt  }
0x50: {  	_ =	shalt  }
0x51: {  	_ =	shalt  }
0x52: {  	_ =	shalt  }
0x53: {  	_ =	shalt  }
0x54: {  	_ =	shalt  }
0x55: {  	_ =	shalt  }
0x56: {  	_ =	shalt  }
0x57: {  	_ =	shalt  }
0x58: {  	_ =	shalt  }
0x59: {  	_ =	shalt  }
0x5a: {  	_ =	shalt  }
0x5b: {  	_ =	shalt  }
0x5c: {  	_ =	shalt  }
0x5d: {  	_ =	shalt  }
0x5e: {  	_ =	shalt  }
0x5f: {  	_ =	shalt  }
0x60: {  	_ =	shalt  }
0x61: {  	_ =	shalt  }
0x62: {  	_ =	shalt  }
0x63: {  	_ =	shalt  }
0x64: {  	_ =	shalt  }
0x65: {  	_ =	shalt  }
0x66: {  	_ =	shalt  }
0x67: {  	_ =	shalt  }
0x68: {  	_ =	shalt  }
0x69: {  	_ =	shalt  }
0x6a: {  	_ =	shalt  }
0x6b: {  	_ =	shalt  }
0x6c: {  	_ =	shalt  }
0x6d: {  	_ =	shalt  }
0x6e: {  	_ =	shalt  }
0x6f: {  	_ =	shalt  }
0x70: {  	_ =	shalt  }
0x71: {  	_ =	shalt  }
0x72: {  	_ =	shalt  }
0x73: {  	_ =	shalt  }
0x74: {  	_ =	shalt  }
0x75: {  	_ =	shalt  }
0x76: {  	_ =	shalt  }
0x77: {  	_ =	shalt  }
0x78: {  	_ =	shalt  }
0x79: {  	_ =	shalt  }
0x7a: {  	_ =	shalt  }
0x7b: {  	_ =	shalt  }
0x7c: {  	_ =	shalt  }
0x7d: {  	_ =	shalt  }
0x7e: {  	_ =	shalt  }
0x7f: {  	_ =	shalt  }
0x80: {  	_ =	shalt  }
0x81: {  	_ =	shalt  }
0x82: {  	_ =	shalt  }
0x83: {  	_ =	shalt  }
0x84: {  	_ =	shalt  }
0x85: {  	_ =	shalt  }
0x86: {  	_ =	shalt  }
0x87: {  	_ =	shalt  }
.Lfunc_end0:
.L_simem_size_0:
called_computation_lowered:
.L_overlay_start_0:
0x88: {  	s2 =	sld [smem:$0x3FD9]  }
0x89: {  	s3 =	sld [smem:$0x3FFE];
	_ =	sdelay $0x1  }
0x8a: {  	s1 =	srdreg.scid  }
0x8b: {  	s0 =	sand.u32 $0x1, s1  }
0x8c: {  	s17 =	sshll.u32 s0, $0xA;
	s2 =	sadd.s32 s3, s2  }
0x8d: {  	s2 =	sadd.s32 s2, s17  }
0x8e: {  	[smem:$0x3FC5] =	sst s2  }
0x8f: {  	_ = 	snop  }
0x90: {  	s2 =	sld [smem:$0x3FD0];
	(tm) =	ssettm $0x1  }
0x91: {  	s18 =	sld [smem:$0x3FFB];
	_ =	sdelay $0x3  }
0x92: {  	_ =	strace s18  }
0x93: {  	s3 =	sld [smem:$0x3FFC];
	_ =	sdelay $0x3  }
0x94: {  	_ =	strace s3  }
0x95: {  	s3 =	sld [smem:$0x3FFD];
	_ =	sdelay $0x3  }
0x96: {  	_ =	strace s3  }
0x97: {  	_ =	strace $0x8FFFFFFF  }
0x98: {  	s19 =	sld [smem:$0x3FDB];
	_ =	sdelay $0x1  }
0x99: {  	s4 =	simm.s32 $_scs_section_size  }
0x9a: {  	s5 =	simm.s32 $_size__tile_overlayer_lowered;
	s6 =	simm.s32 $_tile_overlayer_lowered  }
0x9b: {  	s22 =	simm.s32 $0x1BFF;
	s21 =	sshll.u32 s6, $0x1;
	s3 =	sadd.s32 s4, s19  }
0x9c: {  	s7 =	simm.s32 $0x0;
	s20 =	sshll.u32 s5, $0x1;
	s5 =	sadd.s32 s21, s3  }
0x9d: {  	[timem:s7], [sflag:s22] =	dma.local [hbm:s5], s20  }
0x9e: {  	_ =	swait.ge [sflag:s22], s20  }
0x9f: {  	s4 =	ssub.s32 $0x0, s20;
	[sflag:s22] =	ssyncset.done $0x0  }
0xa0: {  	[sflag:s22] =	ssyncadd.s32 s4;
	_ =	sdelay $0x1  }
0xa1: {  	s23 =	simm.s32 $0x1B8B  }
0xa2: {  	_ =	swait.ge [sflag:s23], $0x1  }
0xa3: {  	[sflag:s23] =	ssyncset.done $0x0  }
0xa4: {  	s25 =	simm.s32 $0x1B8E;
	s24 =	sld [smem:$0x3FFE];
	[sflag:s23] =	ssyncadd.s32 $0xFFFFFFFF  }
0xa5: {  	s26 =	simm.s32 $execute0_lowered;
	[smem:$0x3FD2] =	sst s25  }
0xa6: {  	s5 =	sshll.u32 s26, $0x1;
	_ =	strace $0x80000046;
	[dreg:$0x1] =	wrdreg $0xFFFFFFFF  }
0xa7: {  	s28 =	simm.s32 $_size_execute0_lowered;
	s3 =	sadd.s32 s3, s5;
	[dreg:$0x0] =	wrdreg $0x0  }
0xa8: {  	s5 =	sshll.u32 s28, $0x1;
	[dreg:$0x2] =	wrdreg s3  }
0xa9: {  	[dreg:$0x3] =	wrdreg s5  }
0xaa: {  	[dreg:$0x4] =	wrdreg $0xC0  }
0xab: {  	_ =	task [dreg:s7], $0x5FFFF  }
0xac: {  	[dreg:$0x1] =	wrdreg $0xFFFFFFFF  }
0xad: {  	[dreg:$0x0] =	wrdreg $0x60  }
0xae: {  	[dreg:$0x2] =	wrdreg s2  }
0xaf: {  	[dreg:$0x3] =	wrdreg s24  }
0xb0: {  	[dreg:$0x4] =	wrdreg $0x9  }
0xb1: {  	_ =	task.clear_ibuf [dreg:s7], $0x5FFFF;
	_ =	strace $0x90000046  }
0xb2: {  	s29 =	simm.s32 $0x9;
	_ =	strace $0x80000048  }
0xb3: {  	_ =	swait.ge [sflag:s29], $0x1  }
0xb4: {  	[sflag:s29] =	ssyncadd.s32 $0xFFFFFFFF  }
0xb5: {  	_ =	strace $0x90000048  }
0xb6: {  	_ =	sfence  }
0xb7: {  	s30 =	sld [smem:$0x0];
	_ =	sdelay $0x2  }
0xb8: {  	s31 =	sshll.u32 s1, $0xD;
	s1 =	sshrl.u32 s1, $0x2  }
0xb9: {  	s3 =	sand.u32 $0x4000, s31;
	s1 =	sadd.s32 s1, s30  }
0xba: {  	s0 =	sor.u32 s3, s0;
	s1 =	sshll.u32 s1, $0x11  }
0xbb: {  	s0 =	sor.u32 s1, s0  }
0xbc: {  	s0 =	sadd.s32 $0x8F2B, s0  }
0xbd: {  	[sflag:s0] =	ssyncadd.remote.s32 $0x1  }
0xbe: {  	_ =	sfence.sel $0xFFFF  }
0xbf: {  	[dreg:$0x0] =	wrdreg $0xFFFFFFFF;
	(pc) =	sbr.abs _section_cstart, $3  }
0xc0: {  	[dreg:$0x1] =	wrdreg $0xFFFFFFFF  }
0xc1: {  	_ =	task.clear_ibuf [dreg:s7], $0x2FFFF;
	_ =	strace $0x9FFFFFFF  }
0xc2: {  	(tm) =	ssettm $0x7FFFFFFF  }
0xc3: {  	_ =	shalt  }
tec
execute0_lowered:
.L_overlay_start_1:
0x0: {  	(tag) =	ssettag $0x1  }
0x1: {  	s1 =	srdreg.scid  }
0x2: {  	s0 =	stileid.u32;
	s3 =	rddreg [dreg:$0x0]  }
0x3: {  	s5 =	rddreg [dreg:$0x1];
	s4 =	sand.u32 $0x1, s1;
	s31 =	sshll.u32 s0, $0x1  }
0x4: {  	s2 =	simm.s32 $0x0;
	s6 =	sor.u32 s4, s31;
	s4 =	ssub.s32 $0x2, s4  }
0x5: {  	[smem:$0x7FF] =	sst s2;
	s6 =	smul.u32 $0x3200, s6;
	s7 =	sshrl.u32 s4, $0x1  }
0x6: {  	s1 =	rddreg [dreg:$0x2];
	_ =	strace $0x80000047;
	s7 =	ssub.s32 s4, s7  }
0x7: {  	v0 =	vlaneseq.u32;
	s5 =	sadd.s32 s6, s5;
	s3 =	sadd.s32 s3, s6;
	s6 =	simm.s32 $0x1  }
0x8: {  	v1 =	vimm.s32 $0x0;
	v0 =	vmul.u32 $0xC8, v0;
	s4 =	sadd.s32 $0xA00, s5;
	s5 =	smax.u32 s7, $0x1;
	s7 =	simm.s32 $0x0  }
.LBB2_1:
0x9: {  	[tilespmem:s2], [sflag:$0x1] =	stream.linear.gather [hbm4b:s3+s2], $0x19000, $0x38;
	[tilespmem:$0x19000] =	vst v63  }
0xa: {  	_ =	swait.ge [sflag:s6], $0x19000  }
0xb: {  	[sflag:s6] =	ssyncset.done $0x0  }
0xc: {  	s8 =	simm.s32 $0x0;
	[sflag:s6] =	ssyncadd.s32 $0xFFFE7000  }
.LBB2_2:
0xd: {  	s9 =	sshll.u32 s8, $0x4  }
0xe: {  	v2 =	vmov s9  }
0xf: {  	v3 =	vmul.u32 $0xC8, v2  }
0x10: {  	s30 =	simm.s32 $0x0  }
0x11: {  	v2 =	vadd.s32 s30, v3  }
0x12: {  	v2 =	vbroadcast v2, $0x0;
	_ =	sdelay $0x1  }
0x13: {  	v2 =	vadd.s32 v0, v2;
	_ =	sdelay $0x4  }
0x14: {  	v5 =	vld.idx.msk [tilespmem:v2+s2+$0x0], $0xffff  }
0x15: {  	s31 =	simm.s32 $0x1  }
0x16: {  	v4 =	vimm.s32 $0x0;
	s9 =	simm.s32 $0x2;
	v6 =	vadd.s32 s31, v3  }
.LBB2_3:
0x17: {  	p0 =	sne.s32 s9, $0xC7;
	v6 =	vbroadcast v6, $0x0;
	_ =	sdelay $0x1  }
0x18: {  	vm0 =	vne.s32 v5, $0x0;
	v6 =	vadd.s32 v0, v6  }
0x19: {  	v5 =	vsel vm0, $0x1, v1  }
0x1a: {  	v4 =	vadd.s32 v5, v4  }
0x1b: {  	v5 =	vnsel vm0, $0x0, v4  }
.Ltmp0:
0x1c: {  	[tilespmem:v2+s2+$0x0] =	vst.idx.msk $0xffff, v5;
	v2 =	vmov v6;
	(pc) =	sbr.rel @p0 .LBB2_3-.Ltmp0, $2  }
0x1d: {  	v5 =	vld.idx.msk [tilespmem:v6+s2+$0x0], $0xffff;
	_ =	sdelay $0x2  }
0x1e: {  	v6 =	vadd.s32 s9, v3;
	s9 =	sadd.s32 $0x1, s9  }
0x1f: {  	v3 =	vbroadcast v6, $0x0;
	_ =	sdelay $0x1  }
0x20: {  	vm0 =	vne.s32 v5, $0x0;
	v3 =	vadd.s32 v0, v3  }
0x21: {  	v5 =	vsel vm0, $0x1, v1  }
0x22: {  	v4 =	vadd.s32 v5, v4  }
0x23: {  	v5 =	vnsel vm0, $0x0, v4  }
0x24: {  	[tilespmem:v2+s2+$0x0] =	vst.idx.msk $0xffff, v5  }
0x25: {  	v2 =	vld.idx.msk [tilespmem:v3+s2+$0x0], $0xffff;
	_ =	sdelay $0x2  }
0x26: {  	s8 =	sadd.s32 $0x1, s8  }
0x27: {  	p0 =	sne.s32 s8, $0x20  }
.Ltmp1:
0x28: {  	vm15 =	vne.s32 v2, $0x0;
	(pc) =	sbr.rel @p0 .LBB2_2-.Ltmp1, $4  }
0x29: {  	v2 =	vsel vm15, $0x1, v1  }
0x2a: {  	v2 =	vadd.s32 v2, v4  }
0x2b: {  	v2 =	vnsel vm15, $0x0, v2  }
0x2c: {  	[tilespmem:v3+s2+$0x0] =	vst.idx.msk $0xffff, v2  }
0x2d: {  	s7 =	sadd.s32 $0x1, s7  }
0x2e: {  	p0 =	sne.s32 s7, s5  }
.Ltmp2:
0x2f: {  	_ = 	snop;
	(pc) =	sbr.rel @p0 .LBB2_1-.Ltmp2, $4  }
0x30: {  	[hbm4b:s4+s2] =	stream.linear.scatter [tilespmem:s2], [sflag:$0x1], $0x19000, $0x38;
	[tilespmem:$0x19000] =	vst v63  }
0x31: {  	_ =	swait.ge [sflag:s6], $0x19000  }
0x32: {  	[sflag:s6] =	ssyncset.done $0x0  }
0x33: {  	[sflag:s6] =	ssyncadd.s32 $0xFFFE7000  }
0x34: {  	_ =	sfence.sel $0x180000  }
0x35: {  	[bflag:$0x0] =	sbarrier.arrive $0xFFFF  }
0x36: {  	p0 =	sne.s32 s0, $0x0;
	_ =	strace $0x90000047  }
0x37: {  	s0 =	sadd.s32 @!p0 $0x100000, s1;
	[bflag:$0x2] =	sbarrier.arrive $0xFFFF  }
0x38: {  	[sflag:s0] =	ssyncadd.tile.s32 @!p0 $0x1;
	_ =	shalt  }
.Lfunc_end2:
_tile_overlayer_lowered:
.L_overlay_start_2:
0x39: {  	(tag) =	ssettag $0x2  }
0x3a: {  	s0 =	rddreg [dreg:$0x0];
	s2 =	stileid.u32  }
0x3b: {  	s1 =	rddreg [dreg:$0x1];
	p0 =	sne.s32 s2, $0x0  }
0x3c: {  	s3 =	rddreg [dreg:$0x2];
	[bflag:$0x3] =	sbarrier.arrive $0xFFFF;
	s2 =	simm.s32 @!p0 $0x1C01  }
0x3d: {  	[timem:s3], [sflag:s2] =	dma.local @!p0 [hbm:s0], s1  }
0x3e: {  	s0 =	simm.s32 @!p0 $0x1  }
0x3f: {  	_ =	swait.ge @!p0 [sflag:s0], s1  }
0x40: {  	s1 =	ssub.s32 @!p0 $0x0, s1;
	[sflag:s0] =	ssyncset.done @!p0 $0x0  }
0x41: {  	[sflag:s0] =	ssyncadd.s32 @!p0 s1  }
0x42: {  	[bflag:$0x3] =	sbarrier.arrive $0xFFFF  }
0x43: {  	_ =	shalt  }

</sc_bundles>
